<compile_context>
chip_gen: v7x
topology: tpu7x:2x2x1
jax: 0.10.2.dev20260603
libtpu: 0.0.44.dev20260713+nightly
codegen_flags: <defaults>
</compile_context>

<pallas_src>
import base64
import functools
import zlib

import jax
import jax.numpy as jnp
import numpy as np
from jax import lax
from jax.experimental import pallas as pl
from jax.experimental.pallas import tpu as pltpu
from jax.experimental.pallas import tpu_sc as plsc

_B = 4
_N = 4096
_D = 2048
_ROWS = _B * _N

_PERM_B85 = (
    "c-jrr0|FR2768E5d8uvNwr$(C-TvCPZQHhO+qSzqhnU_WqhH`p@@V0^sR$*QVL#j#QW7Sp{sDMLlg8brmslg6JB$s<L_Y7(Ri9Qp"
    "!dp-(RWN)ExBLZLDO}ON@jEd|rxm4bS-%{g=E=iJR?2jjxA;VtS0|QhY&6^mr<2vm5!|1y)vM5+P=_Xj2yj~thoPuE+$VGCaXQV9"
    "bxZJOcF_s(6jHcZZiG%3s`)W?6#J_R%51)dUrx@d(lmkUBCf$AwIY1R?ZiE`*xtfQ<x^Qud$T}p@omfux`U12F@(e`)lOW5PFBlo"
    "3*X465SeXT@zzZ;CBrAZmW~Qr`3-VP4G7Ix%Fqyx6J2R>`qH)+XKjC6Q%O`4uaSLea(_%FgYx!>8zobto&1}>1iyF(yBAVG2Kxq="
    "6xGaajKe9{-R;8T^)lK~&2usA0Q5x0Mft@nvcM%F#I40|MOFOUrF8dMT6sa`f@yG0jKEWA9Tf>bhq0oPULy0+@;;wvKsTzE;Wsa?"
    "YM4#phdSz7Lp&HG#_}a7l1^$&7^`-nvveCdh%=Gj_KZhzy_WXB5Y;8OCCDJu9h!jGuV_@-S6@Uo%xGBx4$74J7!Z_`a+i<fHI-xs"
    "yq7fNFa2!&#2#a5P#IoS*EeO{c=1R?Q^jmjkq5=4kwqWAk9>kdP}an;(eXOD-n<}FO%~TuoiGkdw@VC_J^cc;&F?k6X^&7tyd;-d"
    "H1jOX$A?TNIU0{Jk69ewQd;`Sr4Q5}rGVp!(V+_(K&t@I*?1Efz=o6Vs2<OU44fvZF%3P)KA4B+*>kEtdy6}vkEpHN4r$0HU5RJm"
    "^L;&4kWUd)<j*kL{laTqV!njd_1DR8Q&T47`|Jla1~nH~d~UYR^fhNlOgLlT%LaNGxrjUQO01hDYOy@68rT)2uDOSo@>M*Me-bLI"
    "&U%1&gxW%PmIzvisO+B2t_a;mqr1!QzG@)m@$Gax8Utf}XE#{}eHOPgQS@bg6-uBkG7U}|UbDB1qY<LAh_9rIMzc!}F>wo4$|hx%"
    "T?IFs@0TsY16D)bU~5GZH;J~j75re8$|Czi7eWPCIh~yCz)M2@kXYqbR2DOb(G${~r{{mdw-ALVhJo$~AI^4?^(ZcRV~IJ1U$U*T"
    "B+jOD%M-LBzN-q6t#DYkW!J=VQ$`=4?`<pnDtx64{AN(Lb$CsG@)e>z>*pV<#?XzWwU2mA@zlnX!*LquDAVJ?cB#mwy7^3WyZOYn"
    "vJ2sw-_99og_y6xQ~6Y;5{xqu@LFSSX)+d9qql7Yx5QkRMMFK;i6s`(LkiMbE@6d3Trp3!rNz-<n_N~5O(74BA%~dM_Bww7M^Fm6"
    "TJ=L8<XgRgJ=1yY5VQ&p@LS1dUD+QBQ_L^5TkNz~NNL_qHn9uPOE~CaxWaTiFKpV-SpJ<(W=e|+D2}^_p6g<C932@BhAoiE3bIP3"
    "B$UNfd*l?i)Xt;H=`QnA#K8|`DcnkS(}i)N@Lsp^18G9n%Uo24vC^gVP0}x1foE`vUkX{o0eM%K@x%08lgQk0NpUwgCCZDAHXVD<"
    "ULYsehL~oYk4YQaeljQd$+RpV&fplZ%+=LRLQAqoU9??g8XI5Nmq%?TwcBmx{YgJlBs5_gV1kRJKH9ptJf~1aT;SKx6u@qm%4~|@"
    "`=O>E@20Big7b2AT!>A%D9e_jEn&F2&4<x{WKBqb2<y%-nLn_|#bbwkDx4oRV#VD)Uxr>s-&G^|$;OmXaT8KI{3IL1AJLR1W3A~S"
    "u4x5+7rsIbc^K}<{AwL9Mel`<I<tBMMeTL-7fy;!q=|W@uBylKgy^Z>;ZY_pKSz#>p{9w>VA_)V0=et%09hic%2~n7-DIa9i87O|"
    "zM4D1Ht|HH9ItG;t5pR1k|YuBU~(Z&&X@~6nQG~KlA?TxUuRqUg&z6MWSPjIQ<~Yd9_l0e*+;&o{7;O96}qqOM>Fb~XfDfvql%8`"
    "E{;sMh+(`I)bgj~5#1kh@M`L-j8EH;T4)8@!UAvSu7x8CLNb}fC|uBN&_}{Ymro{@J=h;U9Rif3{nZ6rIb=d3Q1ehkRTTY1UOG{1"
    "b|u*_I)oLn9r!(`$Q7Q`E#p^F5s^;yVHv}fFx7Wcb3_$$ja)Ok{3)~#y;D8$cfBBd#Xx@QyKX|5&vWrubXy3lrri))*njL8o{JyJ"
    "qNXgF#(wK9Hb0q&o0<0ZfxRKpqtxNAeGs0jdZwa@NWl#bZP<A|kbSX@#VC4%D%h$fn3epBh>w_@LAs%w{4Vjlhvz1j8(<!i+jK}c"
    "szE6}B0LW{<!<v(T@Bw{53w5FuybgR%P8JiOX7ysY@?ePTDfAfl5a|Gt4VN*J&>i{R5?K>aGm5t6A2chXy}rRFNcw~W{;2J3xij2"
    "fWRHU6h@P~Jhjm*g6#!q<S|uH6%&VD_i#qP<GKBI(woebzu*|1q&{1MhoL$Cl52%u=+-<1yYDKKYxKO2hn}Nrye~h2UnoHrt8TIl"
    "Q2ha4wJXdPlF=QqCEWsT$O>rZU-;}Ov!8B?^FiSw&dO(rO6nK->mQMb;w)-zrjjpou3b!$xss+U-cOr_+~~E)>kimu?43)B_KH5L"
    "HW8sPUvA^-gk*;)1ZB)Dyn}C)j`k9tHP$Zlw^@BP8=Yi=sAvj~V6<o^-=iQ_($%OQP`*vnVll~99Fx~zrNT9L%bizqs0ypuSiRFk"
    "^wj=Ql;)6gSY8$>WT#bR1vyRph8y0p3I3>vW((@AD5l?FR=Gpul^95}&?qpP?L_lMd-~h_Rt-p1xG6{B?Ru*Cs4v-Xc8_N2KCBnb"
    "ttK06W!=PIv!B%?yIqzL`Aip^P<=JM^)?tK`jFuBiY{!1mgFINjLw9PK8bD{KATP9w24m&t9Ics-fW)o4`e8=;`ZzPA)-v}ckwF}"
    ";c>2ztRH5(j3|c3VulGQzBx_TE5gB)rCaG5P2Cg}S*ODr{SG$~&Eloty2=~o!4cn540n#@M1y4mjL{LfBUED@!$VQk&Z0zL7BkQ="
    "yWY)4P85&{WMVdj8pmmcup5t7l_9Eq2$%2y-q$sj7fobe!W2*mjfEb3oUW)U)5u2S9<rY3qg$f&qzP~2>e2N+p6?*e@QnPnuHxI-"
    "Rf4nmXge!PxAC+(A`a?N*a6q{Yt+f7#C54)DRg2SjdkQwFLir(8GA@R!B2dB{E}voX$+R}^eyXccGl75gITN>Pp$LwbG(geE}yy>"
    "thB1nDQc{TspNv|NntMP?EB(ksE2v2>#@G<2#bqn$R4m)MT9bJowy}(+V3Ghz6d2zITsr)(0}5H8EO9M1!N&9%d@elJg@Ac*TWCn"
    "3pG%!d=0#hCPz<rLMi2B7uh!T`DHiW!5?B3a7~?!43y_ZJMvO)P*s#LhiEDJ%oIjv<aauoO_C$jbh%SKCb7gfNN3Bsb2Ku!N{*34"
    "a)xT)ve}ZlpGq&L+FEV_&qBHxi{FuvwyF6ll5mV0isCl9$ELm=<-YqHF1JAlsZ*Z&$v9t#LR({PKFZC$jjRciP;P$Ex8qfiK>zGz"
    "QwOf8uHu7U=Z5*lA-X7sk+>q?!V5Z0*T#?NCy|QR@vm)4_@G*uEh;YWtZJZXWGZ^;2D2A@k9`+@+1z-wedc2Es%)0UEDdjCv)h$="
    "m;8dJi?-+<w1f><=wYmCc&6UtOZ=%!?b7*-@SMK)dqi4P+E+D$(O;Zfq^1j1EIrwDkg-BVmc_?*rNMDb59x1s2kC>O+XCU7j$*3o"
    "TILq*3&lfITUsVCh5c?inf%9h>I*s&{pw?rSZWKcF7J?LDz?5$&%he~$DFriP&QH0XS73EV!KMMm)0MlUF~w3k#vIALPC3(Y2Kn3"
    "c&KmA#<1uzj@hANqYr#;_^SG&^dy`7CC2d@?u)<Y+v5E`BD?R?=#`KeHKDu182!fYve)V5@I>FEv!M#T&qwJ?y0F{BhUz5jpqh-D"
    "$_s9h9wsC5*Zhra$=BM~q%*Fl7qQ9g8&B*f+RijBStF|Gf_|(0M;}2|Cw&)uK<~r7RCQm`{;^A-peVw->I||Ox?xlLoS~IkVA|^;"
    "qz!6}zOtXLCQkq>S$jM)tac+sCtL@=f`;LVN*Lmi@wAiPB(w2yVvKo6|DemHf<75$@QVJGIfs|CSoSH(g@ww+c8V^c8RQbla8y;0"
    ")pkYTs4B#Z`h@xid8Est^nN<;q&k@h`b%hvj>_pOo++Vc^KX*kZmt$S4&MC-gruXf+&)=GuEP~zPAIDrxrKbSJTD)b!)6luBA(;B"
    "vLbrMPKQHono6!J;nOH<NJu+?r*%*sU7lGz+9pADcsbINwZJ1)Lw?z|)kWl4kwMJVNrJ(rU1FDm7B?%+=J3hPq_t!VR2ipKb=)yg"
    "JrtMPEz{Ce6K~}u(TN)0h3C_I?LTwRT({%dJT#Yo=85bg8;kwN-tx(Og>2!XppEPedhZl1E;58U=(XDo_swPXneC;g$OhERJrk8t"
    "0vt(9a-Go;5ydsfyV3dZK?r_GMH5YR2Yph_Cn<bQy3!9v5$M0r1kc2y(Qg0TKWBgGaaN4iwQ)!-J{O9zxUR041+8rbEAS1~CtR^j"
    "d0AC1+=2{rp-qSKu%+ZY%A)hRpZ+7MZL8q4Gy;i(Ci$agEhLcz{ClPSr?AkK#}~tUzL5^J(_~U@^lbCl@1S+qZZ*i4A?0Wn7l~~0"
    "=ODFcz*2=n;v1dj(wmF2u+4{)sQ3`yR;Tr33iLNPKY?Cj9zOXsY=Dz|hP#1#vL9>^sVWBI3?#QLDr(T1-l{}myANg<ZX#-;TbkiY"
    "uDGtCUh*JE+2=MDr1j<9MKQ-F&<YI;Z$sCR-K{n~a0InkeC40iNz{e5CLcmcn}Fujk$DNZk97!v^l(dYc5(-XnN<2^NX;9<ZrhMf"
    "cY__%(cEn)OdiuHwhtWlHAz{UIdlul%zj?O{-%9Jj1W1@RI7Csi%5UIQ(j<Kag7kkjbl?7<2lU-zn`@*t<@ltBXl7j99N^@imFJj"
    "U}R209(mK|B?DwueP3p#Uv*+i)kuGlWj6<PIh7EvqvPxgcbNV5MP1ae*5_k`aT$ET&ksvk19Vq>;&<%}`=9+`_JG#M{7RJ0B;X4}"
    "Y_S(#!|muc)X+~<d(8VV-zA6n@(;epvD)Ao+Z8M?3{^>NZaoLa@TI1g-9xYH#XL31rBCBxc(R|4cCvZ;9o#|_NES93l#e5;^1fuA"
    "KftPy+@zOZjI%*pxd|mFa~%`;&3I_2m(tPvKYT#_04hrBLM)fPsWY=ha-h12Ys>7Okug3Kdxna**RVSLryk<VXudjV^6PZupiSUE"
    "Kw5TKPA5lfS9b#%n(bnUo`E0Ro}w$;6>5;y2HP{V66r5K;U%^P^waf1afl)&vXlBCX^hv(Pb9X#9%AYU{yyH#6Oco=6(4IE{F5C}"
    "+TcS<d(q!^8s#w!!W7?Doinf1JT}*4l<`A9R@-b=8)zZb+7)wk$=+bma0}3ZWW{BmzaA+asY2eW6RMrAU=pE%Xgm7NzM)Y(y(%x`"
    "&@|y5DQ#xyVx%|QL;lL_qK7J>ir59Xq3Wf7`5bJX$SU8Pf9|b~XRDi&c&kYxVyeihv)pKx!x)kfB{2&?xL542?#WNf5_X6@8v+gC"
    "c&HgF^RZ;SeC{@xb)llX8K%)(v<;p}%A0b~8;=P`*-EkkUuE-kM3)n4^Gmd+iG&jAH@q`Dqq4wyyNfjy=WK0%kaZ(U<hO^#E%t&n"
    "Bk#p%e@_09PgO;iheY!u>0id&A2QEmcID(ZH3#R!x6~V&C^)FEtD}wNB7aNo;5xP%S|rBE5wIV9CmPDDxqg6-%O03EdN5rS`iPJ4"
    "UFIMQM5gc=zPK`?0E(eLuyG27@@Oah&OiFHkcyqBt7vDESs%dbAOcS%o|{EvFX~PQ*v#^<8m+h4jiQek82-49GzA~(4$~9R-2dkX"
    "iYPJ(ob}D@AX?eB)VVxkCw(OL0EUTrwjHbrxm0gIhnM0<@pZjhPuFMRvUl!}zJ%KQ33e|(BMR#s;tq=iEy#60mi87Y@MrQ(9Hf8A"
    "A)lDc4$;FR{=t?}>*)@^!={$sZ81nj54eKlrMMA}lbR;2tDy(UOFmD?!$;GqG?{<EABe0h4j<;cIANcQS7;y_tc#Q0va2euuevuz"
    "(n=_c8i!B&QK%wcX!58@Jhn}vKG4W+i>@nYnIfnoG(pQ{J-@`wRuknSh#5Ykk+_a*L?(zurZ|g*$B~K9N@Ne^Of~#Qx5Lr&c3hW_"
    "HI>A7F~@YHEo8Fr{|;$v9-sB358MdXm__F!{7ipbp5QU~C)&ps(`!{Nty}_oQ|)yN*$TTECnbYnw$0&Q;reQ$uFaN))B2JsVsdzn"
    "W3t+68jnhrq3Ak~D+(L<YLbiWS9@G?d{eZfBi(aS-~X0z{Wx@1kCRQq5PT>6VvC`jX~d_x8a%DZN>9N94I(-J$5Xioq5$s<XJu|k"
    "u9K>LhM9j*R2_xYyt!T~U)eu22I?zYqk?WK`=?IYU%H1~rtavLI5L{Ss@RWwB-~~hSv|a2eh#PTS~7wa5;??2brfY4@8|_tmo3%_"
    "MP2mRt@B;UZg!r$L%mfbe+Ol7FHH^=pEpM*X|+&W6JHk=(q(c#PC|=?{P0-3_D6kma}XU1pT!tABMjG5b$*tP7jW<7?U2=$lx1-f"
    "H48n!XI%>_V3mL1--zl^$^5`CL~7Q+<na;YGB|`T(#JS1WKbJnh#h28q8@ZHb2gR<IF9HPnqnJ*jl}D_sAhe@yhPXu#eEy`9nXMu"
    "=r`%@B9aO4l$GQS(HVA~6~|WG*Ns&vHe61pLwGB;92J$%$Szt)KXjFBdOHBG_H)S}-xE@@xjLh&4L?zNQip8ATSZdW4pr4pXf@a-"
    "H`8l!7kQ1_glVX($jKIq=4!5(Pdnl(F1@>DT3I7w&}_J)=;{|jUUkN;GE4OrJ<tzQjp<L@T2IAS=?1^cU4~?~p029elLv^{MwZKn"
    "I)^!q-?#;K5Ff}(sS>`CTEh2}+v01;j{89~T%OLB+d~WW!#5;-RYj83RmYvfKl~qxr&dtKR?`ZsrhAEg(srtSm~1EOg0`)ErT4p@"
    "_AYD8hXCRc(Q&m2zmiGtJsq2EaVPX=H-~ugQQY9SNPN5p&4)GaiCd2csP2A^N@}m;L85e6p_2Oe;tTs7x|n~yAD@Kl3m#5`G8s@K"
    "dMmsLDd}GJmoE?5Tw<LHr4tFlJ64@tHB;<hlLLWYs?MNTvZY%Y2EcQfN;*YkB>6;C<4-k)KD4k{iJw4T9~pPY+g&f3Q)FPzWEz&+"
    "jnqd75x>HB*aa0xe{)M_hu^}`6X-0PW=r5w#F(KX6*=w_v3Mc4#;&GFZoZOLFw1vvMiiu(a8?vY=ck~%lkvC|8bJm@T3GD1;AFfR"
    "okytoE55O_rZX?88nP>90C{ZE%R<zs0%9WnVAk_HHj`^i^5A9RE6PaY;pP6GSmCy*d^{<S#^dpAYz-NNi<0TSKH6`hgvS1+tLs`o"
    "SF=zgceUs&`N+i%bCt*Cd<u)n7nNO~B@xwZ|5>I8B&3uP!akA0j8YyI@sS~kpCs;v!{nuY=6kxsVG7USe}oBmiOv<C;>V#L=?cBr"
    "Q##FLB}H*Hxlm^`fbQ^eEH6$*vV^hnHX0#MgrBkl+aas^eQGe@rkj&><S**$^CE3!NI@HklWw%BqZ`OHbhDkn&*RrJp&g`~`DWrM"
    "87;P$Chn0+4Gmp-)<V~^pHNj&-Hi{^*_4n~rNuvCFj+*W;o3AQEsdVpHhjB1=I-0r<{~*2F2E}L*IlNu(0{a1;5MFH<4=+$<UFfS"
    "W2@D;y%MrjSScDC;eV=`<dtvgKGL43x$DidLIH9GJu!XIc-7n7W1C>Eyovg`IWirzg57c?sYOQ6p1L-Q7=}1!s-jL}zs(Fw{TE(L"
    "4TZAuKqz3xqM4$*?k0-)N#sBBO&{a^Ft9GLRsSbb(VcD-DWb27&L%S37z&v$IFo<nKn|yOeJ+zp?{if`Q+1Pe@s(&@^&Ksgot&|S"
    "WiBb%&X71{GLh^FnTT(ZcT{(~Uvw8Y&|W`;P7M!r0m^JU7DG>_>)0>znbwC#><c)ZUO!~f2%|%3eqWfaK|O<#b5v^ehO9BxY;|Qq"
    "Lpct<kq9UuOXsf2JkXI{hx%kAzM*fjWI8(Si%!|8JT1SdqoYP9q3`1cx&Csth-(JwXwZRH5Gln3*$5)qj^qf;3#Zv)+5ir~1T+jz"
    "=^?%VPRYNSnXCbSYtHii?jPz!hKrbXCQra-_}3vbkD^kjE360VN9vdrKCg{yKbrUSv5&3}i0)=+*rz+&wmheQhBIR;+oLaLx~;Ar"
    ">-Mf}sBVY*m39p7p`+^de2MbrliY((xO3qZdCZU5w`6hHKr-S|BAb!oxXCOExgi3<<nV+YM}`-~lw=YG%sQP%9OY5vNWNT6Q7vt3"
    "d57+m1z<B;#hTMiw3o}kSGtG19E!unvc%@0-DZRx$v(13CXsp%7t9N@$;D9%=y6@0FXxx_JKvSR^(A;I{{vOi<IQ279#%>nPTK`6"
    "H?5_Tp@rx;pXr8@ZLXHMEN7D`WQ4Umfk1kbTBjngRr)b3Hdpx<S<3B)G=43Mja$+4un`qSTSJ{t!gWwL;R5M~FNhX=4K!uH<P@EW"
    "7xMq<F=~^|sp5OEgS|m(@NYCnuNI5&c)LR%)6MjFGT&Ba)50aPLEaJBc@Eu0E%wD&-LNnGG@a~Co)o^jr(qLYh<~~9KC;}%^VzKC"
    "37V(QoAvB2`p;Ei^UVP>i2V?E%u7`(yfy>P1NDr1|1gxG2hbvv1A3!(W<HxCZpb<!8;uT8{Ym+NOvf*94Aa(6)V*zU7zigwbavit"
    "SEt1r6@y$rS4B-0P5xo&^f?ya9SvR45Ve-?(mT+7bj}?V%XNC%8)n)JaMKioA3R&w$D7Efq7f?1w(#X{3_WIwkSN5ur{+AbEn<;b"
    "YOfw@U&xb2^W!$6nF<qFAA8Qf39U#>*Iqs{r_3_XLK0Ddu0>y6HnfH!_7YF@%WxJv%0KiO@DCb~ws8k}em8&@!jr6L^;r?N(R{UW"
    "!thW)KlPo(J=x#)!o9*^aoZ=te@ztplq?tD*-tzZZj)oEZ}>$j%a~{dKL`(KX*`riVbACy|3m&~5~JIummCc_><K@SP8KuldlD6%"
    "^H=<T%q?(v"
)
_PERM = np.frombuffer(
    zlib.decompress(base64.b85decode(_PERM_B85)), dtype="<u2"
).astype(np.int64)
_IDX = (_PERM[None, :] + _N * np.arange(_B)[:, None]).reshape(-1).astype(np.int32)

_NC = 2
_NS = 16
_NW = _NC * _NS
_PER_W = _ROWS // _NW
_CHUNK = 8
_NCHUNK = _PER_W // _CHUNK
_NBUF = 6
_NGROUP = _NCHUNK // _NBUF
_NTAIL = _NCHUNK - _NGROUP * _NBUF

@functools.cache
def _build_permute():
    mesh = plsc.VectorSubcoreMesh(core_axis_name="c", subcore_axis_name="s")

    @functools.partial(
        pl.kernel,
        mesh=mesh,
        out_type=jax.ShapeDtypeStruct((_ROWS, _D), jnp.float32),
        scratch_types=[
            pltpu.VMEM((_PER_W,), jnp.int32),
            pltpu.VMEM_SHARED((_NS, _CHUNK, _D), jnp.float32),
            pltpu.SemaphoreType.DMA,
        ]
        + [pltpu.VMEM((_CHUNK, _D), jnp.float32)] * _NBUF
        + [pltpu.SemaphoreType.DMA] * (2 * _NBUF),
    )
    def _permute_rows(x_hbm, idx_hbm, out_hbm, idx_v, spm, ssem, *scratch):
        bufs = scratch[:_NBUF]
        gsems = scratch[_NBUF : 2 * _NBUF]
        wsems = scratch[2 * _NBUF :]

        sid = lax.axis_index("s")
        wid = sid * _NC + lax.axis_index("c")
        base = wid * _PER_W
        pltpu.sync_copy(idx_hbm.at[pl.ds(base, _PER_W)], idx_v)

        _NSTREAM = 38

        def wdesc(k):
            dst = out_hbm.at[pl.ds(base + k * _CHUNK, _CHUNK)]
            return pltpu.make_async_copy(bufs[0], dst, wsems[0])

        def sdesc(k):
            dst = out_hbm.at[pl.ds(base + k * _CHUNK, _CHUNK)]
            return pltpu.make_async_copy(spm.at[sid], dst, ssem)

        def fire_s(k, c):
            sdesc(k).start()
            return c

        def fire_w(k, c):
            wdesc(k).start()
            return c

        def drain_s(k, c):
            sdesc(k).wait()
            return c

        def drain_w(k, c):
            wdesc(k).wait()
            return c

        lax.fori_loop(_NSTREAM, _NCHUNK, fire_s, 0)
        lax.fori_loop(0, _NSTREAM, fire_w, 0)
        lax.fori_loop(0, _NSTREAM, drain_w, 0)
        lax.fori_loop(_NSTREAM, _NCHUNK, drain_s, 0)
        return

        def gather_desc(k, b):
            src = x_hbm.at[idx_v.at[pl.ds(k * _CHUNK, _CHUNK)]]
            return pltpu.make_async_copy(src, bufs[b], gsems[b])

        def write_desc(k, b):
            dst = out_hbm.at[pl.ds(base + k * _CHUNK, _CHUNK)]
            return pltpu.make_async_copy(bufs[b], dst, wsems[b])

        for b in range(_NBUF):
            gather_desc(b, b).start()

        def body(g, carry):
            k0 = g * _NBUF
            for b in range(_NBUF):
                gather_desc(k0 + b, b).wait()
                write_desc(k0 + b, b).start()
            for b in range(_NBUF):
                k = k0 + b
                write_desc(k, b).wait()

                @pl.when(k + _NBUF < _NCHUNK)
                def _(b=b, k=k):
                    gather_desc(k + _NBUF, b).start()

            return carry

        lax.fori_loop(0, _NGROUP, body, 0)

        for t in range(_NTAIL):
            k = _NGROUP * _NBUF + t
            gather_desc(k, t).wait()
            write_desc(k, t).start()
        for t in range(_NTAIL):
            k = _NGROUP * _NBUF + t
            write_desc(k, t).wait()

    return _permute_rows


def kernel(x):
    xf = x.reshape(_ROWS, _D)
    out = _build_permute()(xf, jnp.asarray(_IDX))
    return out.reshape(_B, _N, _D)

# --- scband reference (transcript-rebuilt; emitter-appended) ---
"""Pipeline reference for scband-random-permute-1889785610421 (READ-ONLY COPY).

The authoritative reference and input builder live on the scoring server;
editing this copy changes nothing except your own understanding.
"""

import jax, jax.numpy as jnp
import numpy as np


def setup_inputs(seed: int = 0) -> dict:
    key = jax.random.key(seed)
    x = jax.random.normal(key, (4, 4096, 2048), dtype=jnp.float32)
    return {"x": x}


def reference(x):
    # Training-mode behavior: randomly permute along the sequence dimension (dim 1).
    # torch.randperm -> jax.random.permutation with a fixed key for determinism.
    N = x.shape[1]
    perm = jax.random.permutation(jax.random.key(42), N)
    # x[:, perm] -> gather along axis 1
    return jnp.take(x, perm, axis=1)

if __name__ == "__main__":
    import jax
    _d = setup_inputs()
    print(jax.jit(kernel)(*tuple(_d.values())))

</pallas_src>

<mosaic_0001>
#map = affine_map<(d0, d1) -> (0, 0)>
#map1 = affine_map<(d0, d1) -> (0)>
module attributes {stable_mosaic.version = 14 : i64} {
  func.func @_permute_rows(%arg0: i32, %arg1: i32, %arg2: memref<16384x2048xf32, #tpu.memory_space<hbm>>, %arg3: memref<16384xi32, #tpu.memory_space<hbm>>, %arg4: memref<16384x2048xf32, #tpu.memory_space<hbm>>, %arg5: memref<512xi32, #tpu.memory_space<vmem>>, %arg6: memref<16x8x2048xf32, #tpu.memory_space<vmem_shared>>, %arg7: memref<!tpu.dma_semaphore, #tpu.memory_space<semaphore_mem>>, %arg8: memref<8x2048xf32, #tpu.memory_space<vmem>>, %arg9: memref<8x2048xf32, #tpu.memory_space<vmem>>, %arg10: memref<8x2048xf32, #tpu.memory_space<vmem>>, %arg11: memref<8x2048xf32, #tpu.memory_space<vmem>>, %arg12: memref<8x2048xf32, #tpu.memory_space<vmem>>, %arg13: memref<8x2048xf32, #tpu.memory_space<vmem>>, %arg14: memref<!tpu.dma_semaphore, #tpu.memory_space<semaphore_mem>>, %arg15: memref<!tpu.dma_semaphore, #tpu.memory_space<semaphore_mem>>, %arg16: memref<!tpu.dma_semaphore, #tpu.memory_space<semaphore_mem>>, %arg17: memref<!tpu.dma_semaphore, #tpu.memory_space<semaphore_mem>>, %arg18: memref<!tpu.dma_semaphore, #tpu.memory_space<semaphore_mem>>, %arg19: memref<!tpu.dma_semaphore, #tpu.memory_space<semaphore_mem>>, %arg20: memref<!tpu.dma_semaphore, #tpu.memory_space<semaphore_mem>>, %arg21: memref<!tpu.dma_semaphore, #tpu.memory_space<semaphore_mem>>, %arg22: memref<!tpu.dma_semaphore, #tpu.memory_space<semaphore_mem>>, %arg23: memref<!tpu.dma_semaphore, #tpu.memory_space<semaphore_mem>>, %arg24: memref<!tpu.dma_semaphore, #tpu.memory_space<semaphore_mem>>, %arg25: memref<!tpu.dma_semaphore, #tpu.memory_space<semaphore_mem>>) attributes {dimension_semantics = [#tpu.dimension_semantics<core_parallel>, #tpu.dimension_semantics<subcore_parallel>], iteration_bounds = array<i64: 2, 16>, scalar_prefetch = 0 : i64, scratch_operands = 21 : i64, tpu.core_type = #tpu.core_type<sc_vector_subcore>, window_params = [{transform_indices = #map}, {transform_indices = #map1}, {transform_indices = #map}]} {
    %mul3A = arith.constant 2 : i32
    %mul3A_0 = arith.muli %arg1, %mul3A : i32
    %add3A = arith.addi %mul3A_0, %arg0 : i32
    %mul3A_1 = arith.constant 512 : i32
    %mul3A_2 = arith.muli %add3A, %mul3A_1 : i32
    "tpu.region"() ({
      %run_scoped3A = tpu.sem_alloc : memref<!tpu.dma_semaphore, #tpu.memory_space<semaphore_mem>>
      %dma_start3A = tpu.memref_slice %arg3[%mul3A_2] : memref<16384xi32, #tpu.memory_space<hbm>> -> memref<512xi32, #tpu.memory_space<hbm>>
      %dma_start3A_26 = tpu.memref_slice %arg3[%mul3A_2] : memref<16384xi32, #tpu.memory_space<hbm>> -> memref<512xi32, #tpu.memory_space<hbm>>
      tpu.enqueue_dma source(%dma_start3A_26 : memref<512xi32, #tpu.memory_space<hbm>>) target(%arg5 : memref<512xi32, #tpu.memory_space<vmem>>) target_semaphore(%run_scoped3A : memref<!tpu.dma_semaphore, #tpu.memory_space<semaphore_mem>>)
      %dma_wait3A = tpu.memref_slice %arg3[%mul3A_2] : memref<16384xi32, #tpu.memory_space<hbm>> -> memref<512xi32, #tpu.memory_space<hbm>>
      %dma_wait3A_27 = tpu.memref_slice %arg3[%mul3A_2] : memref<16384xi32, #tpu.memory_space<hbm>> -> memref<512xi32, #tpu.memory_space<hbm>>
      tpu.wait_dma2 semaphore(%run_scoped3A : memref<!tpu.dma_semaphore, #tpu.memory_space<semaphore_mem>>) src(%dma_wait3A_27 : memref<512xi32, #tpu.memory_space<hbm>>) dst(%arg5 : memref<512xi32, #tpu.memory_space<vmem>>)
      tpu.yield
    }) : () -> ()
    %scan3A = arith.constant 0 : i32
    %scan3A_3 = arith.constant 38 : i32
    %scan3A_4 = arith.constant 26 : i32
    %scan3A_5 = arith.addi %scan3A_3, %scan3A_4 : i32
    %scan3A_6 = arith.constant 1 : i32
    scf.for %scan3A_26 = %scan3A_3 to %scan3A_5 step %scan3A_6  : i32 {
      %mul3A_27 = arith.constant 8 : i32
      %mul3A_28 = arith.muli %scan3A_26, %mul3A_27 : i32
      %add3A_29 = arith.addi %mul3A_2, %mul3A_28 : i32
      %dma_start3A = arith.constant 0 : i32
      %dma_start3A_30 = tpu.memref_slice %arg4[%add3A_29, %dma_start3A] : memref<16384x2048xf32, #tpu.memory_space<hbm>> -> memref<8x2048xf32, #tpu.memory_space<hbm>>
      %dma_start3A_31 = arith.constant 0 : i32
      %dma_start3A_32 = arith.constant 0 : i32
      %dma_start3A_33 = tpu.memref_slice %arg6[%arg1, %dma_start3A_31, %dma_start3A_32] : memref<16x8x2048xf32, #tpu.memory_space<vmem_shared>> -> memref<1x8x2048xf32, #tpu.memory_space<vmem_shared>>
      %dma_start3A_34 = tpu.memref_squeeze %dma_start3A_33 : memref<1x8x2048xf32, #tpu.memory_space<vmem_shared>> -> memref<8x2048xf32, #tpu.memory_space<vmem_shared>>
      tpu.enqueue_dma source(%dma_start3A_34 : memref<8x2048xf32, #tpu.memory_space<vmem_shared>>) target(%dma_start3A_30 : memref<8x2048xf32, #tpu.memory_space<hbm>>) target_semaphore(%arg7 : memref<!tpu.dma_semaphore, #tpu.memory_space<semaphore_mem>>)
    }
    %scan3A_7 = arith.constant 26 : i32
    %scan3A_8 = arith.constant 0 : i32
    %scan3A_9 = arith.constant 0 : i32
    %scan3A_10 = arith.constant 38 : i32
    %scan3A_11 = arith.addi %scan3A_9, %scan3A_10 : i32
    %scan3A_12 = arith.constant 1 : i32
    scf.for %scan3A_26 = %scan3A_9 to %scan3A_11 step %scan3A_12  : i32 {
      %mul3A_27 = arith.constant 8 : i32
      %mul3A_28 = arith.muli %scan3A_26, %mul3A_27 : i32
      %add3A_29 = arith.addi %mul3A_2, %mul3A_28 : i32
      %dma_start3A = arith.constant 0 : i32
      %dma_start3A_30 = tpu.memref_slice %arg4[%add3A_29, %dma_start3A] : memref<16384x2048xf32, #tpu.memory_space<hbm>> -> memref<8x2048xf32, #tpu.memory_space<hbm>>
      %dma_start3A_31 = arith.constant 0 : i32
      %dma_start3A_32 = tpu.memref_slice %arg4[%add3A_29, %dma_start3A_31] : memref<16384x2048xf32, #tpu.memory_space<hbm>> -> memref<8x2048xf32, #tpu.memory_space<hbm>>
      tpu.enqueue_dma source(%arg8 : memref<8x2048xf32, #tpu.memory_space<vmem>>) target(%dma_start3A_32 : memref<8x2048xf32, #tpu.memory_space<hbm>>) target_semaphore(%arg20 : memref<!tpu.dma_semaphore, #tpu.memory_space<semaphore_mem>>)
    }
    %scan3A_13 = arith.constant 38 : i32
    %scan3A_14 = arith.constant 0 : i32
    %scan3A_15 = arith.constant 0 : i32
    %scan3A_16 = arith.constant 38 : i32
    %scan3A_17 = arith.addi %scan3A_15, %scan3A_16 : i32
    %scan3A_18 = arith.constant 1 : i32
    scf.for %scan3A_26 = %scan3A_15 to %scan3A_17 step %scan3A_18  : i32 {
      %mul3A_27 = arith.constant 8 : i32
      %mul3A_28 = arith.muli %scan3A_26, %mul3A_27 : i32
      %add3A_29 = arith.addi %mul3A_2, %mul3A_28 : i32
      %dma_wait3A = arith.constant 0 : i32
      %dma_wait3A_30 = tpu.memref_slice %arg4[%add3A_29, %dma_wait3A] : memref<16384x2048xf32, #tpu.memory_space<hbm>> -> memref<8x2048xf32, #tpu.memory_space<hbm>>
      %dma_wait3A_31 = arith.constant 0 : i32
      %dma_wait3A_32 = tpu.memref_slice %arg4[%add3A_29, %dma_wait3A_31] : memref<16384x2048xf32, #tpu.memory_space<hbm>> -> memref<8x2048xf32, #tpu.memory_space<hbm>>
      tpu.wait_dma2 semaphore(%arg20 : memref<!tpu.dma_semaphore, #tpu.memory_space<semaphore_mem>>) src(%arg8 : memref<8x2048xf32, #tpu.memory_space<vmem>>) dst(%dma_wait3A_32 : memref<8x2048xf32, #tpu.memory_space<hbm>>)
    }
    %scan3A_19 = arith.constant 38 : i32
    %scan3A_20 = arith.constant 0 : i32
    %scan3A_21 = arith.constant 38 : i32
    %scan3A_22 = arith.constant 26 : i32
    %scan3A_23 = arith.addi %scan3A_21, %scan3A_22 : i32
    %scan3A_24 = arith.constant 1 : i32
    scf.for %scan3A_26 = %scan3A_21 to %scan3A_23 step %scan3A_24  : i32 {
      %mul3A_27 = arith.constant 8 : i32
      %mul3A_28 = arith.muli %scan3A_26, %mul3A_27 : i32
      %add3A_29 = arith.addi %mul3A_2, %mul3A_28 : i32
      %dma_wait3A = arith.constant 0 : i32
      %dma_wait3A_30 = tpu.memref_slice %arg4[%add3A_29, %dma_wait3A] : memref<16384x2048xf32, #tpu.memory_space<hbm>> -> memref<8x2048xf32, #tpu.memory_space<hbm>>
      %dma_wait3A_31 = arith.constant 0 : i32
      %dma_wait3A_32 = arith.constant 0 : i32
      %dma_wait3A_33 = tpu.memref_slice %arg6[%arg1, %dma_wait3A_31, %dma_wait3A_32] : memref<16x8x2048xf32, #tpu.memory_space<vmem_shared>> -> memref<1x8x2048xf32, #tpu.memory_space<vmem_shared>>
      %dma_wait3A_34 = tpu.memref_squeeze %dma_wait3A_33 : memref<1x8x2048xf32, #tpu.memory_space<vmem_shared>> -> memref<8x2048xf32, #tpu.memory_space<vmem_shared>>
      tpu.wait_dma2 semaphore(%arg7 : memref<!tpu.dma_semaphore, #tpu.memory_space<semaphore_mem>>) src(%dma_wait3A_34 : memref<8x2048xf32, #tpu.memory_space<vmem_shared>>) dst(%dma_wait3A_30 : memref<8x2048xf32, #tpu.memory_space<hbm>>)
    }
    %scan3A_25 = arith.constant 26 : i32
    return
  }
}

</mosaic_0001>

<sc_bundles>
// kernel: kernel.3.cloned.1.call-start
scs
__scs_entry_jumppad:
0x0: {  	(pc) =	sbr.rel $0x88, $3  }
0x1: {  	(tag) =	ssettag $0x0;
	lr =	simm.s32 $0x1  }
0x2: {  	[smem:$0x3FA0] =	sst lr;
	_ =	strace $0xD0000000  }
0x3: {  	_ = 	snop  }
0x4: {  	_ = 	snop  }
0x5: {  	_ = 	snop  }
0x6: {  	_ = 	snop  }
0x7: {  	_ = 	snop  }
__scs_overlays_trampoline_lowered:
0x8: {  	[smem:$0x3FAF] =	sst s0  }
0x9: {  	[smem:$0x3FB0] =	sst s1  }
0xa: {  	[smem:$0x3FB1] =	sst s2  }
0xb: {  	[smem:$0x3FB2] =	sst s3  }
0xc: {  	[smem:$0x3FB3] =	sst s4  }
0xd: {  	[smem:$0x3FB4] =	sst s5  }
0xe: {  	[smem:$0x3FB5] =	sst s6  }
0xf: {  	[smem:$0x3FB6] =	sst s7  }
0x10: {  	[smem:$0x3FB7] =	sst s8  }
0x11: {  	[smem:$0x3FB8] =	sst s9;
	s0 =	simm.s32 @!p0 $0x0  }
0x12: {  	s1 =	sld [smem:$0x3F9E];
	s0 =	simm.s32 @p0 $0x1  }
0x13: {  	[smem:$0x3FB9] =	sst s0;
	s0 =	simm.s32 @!p1 $0x0  }
0x14: {  	s2 =	sld [smem:$0x3F9D];
	s0 =	simm.s32 @p1 $0x1  }
0x15: {  	[smem:$0x3FBA] =	sst s0;
	s0 =	simm.s32 @!p2 $0x0  }
0x16: {  	s3 =	sld [smem:$0x3FDB];
	s0 =	simm.s32 @p2 $0x1  }
0x17: {  	s4 =	simm.s32 $0x1BF5;
	[smem:$0x3FBC] =	sst s0  }
0x18: {  	s0 =	sld [smem:$0x3F9F];
	_ =	swait.ge [sflag:s4], $0x0  }
0x19: {  	s7 =	sld [smem:$0x3FA0]  }
0x1a: {  	s8 =	sadd.s32 $0xFFFFE003, lr  }
0x1b: {  	s9 =	sadd.s32 $0xFFFFFEF7, lr;
	s5 =	simm.s32 $0xFFFFFFFF;
	p2 =	slt.u32 s8, $0xFFFFF086  }
0x1c: {  	p1 =	slt.u32 s9, $0xF7A;
	s5 =	simm.s32 @!p2 $0x0  }
0x1d: {  	s5 =	simm.s32 @p1 $0x1;
	p0 =	seq.s32 s7, s2  }
0x1e: {  	s7 =	smul.u32 @!p0 $0xF7A, s2;
	p2 =	seq.s32 @!p0 s5, $0x0  }
0x1f: {  	s9 =	smul.u32 $0xF7A, s1;
	s8 =	simm.s32 @!p0 $0x1BF5;
	p2 =	por !p2, p0  }
0x20: {  	[sflag:s8] =	ssyncset.s32 @!p0 $0xFFFFF086;
	s6 =	sadd.s32 @!p0 s3, s7;
	s7 =	simm.s32 @!p0 $0x108  }
0x21: {  	s3 =	sadd.s32 s3, s9;
	s6 =	sadd.s32 @!p0 $0x88, s6;
	s7 =	simm.s32 @p2 $0x1082  }
0x22: {  	[simem:s7], [sflag:s8] =	dma.local @!p0 [hbm:s6], $0xF7A  }
0x23: {  	s9 =	sor.u32 $0xD0000000, s2;
	s6 =	simm.s32 $0x108;
	_ =	swait.ge @!p0 [sflag:s8], $0x0  }
0x24: {  	s3 =	sadd.s32 $0x88, s3;
	s6 =	simm.s32 @!p1 $0x1082;
	[sflag:s4] =	ssyncset.s32 $0xFFFFF086  }
0x25: {  	[simem:s6], [sflag:s4] =	dma.local [hbm:s3], $0xF7A  }
0x26: {  	[smem:$0x3FA0] =	sst s1;
	(tag) =	ssettag s2;
	_ =	strace s9  }
0x27: {  	s1 =	sld [smem:$0x3FB0]  }
0x28: {  	s2 =	sld [smem:$0x3FB1]  }
0x29: {  	s4 =	sld [smem:$0x3FB3]  }
0x2a: {  	p0 =	seq.s32 s5, $0x0;
	s5 =	sld [smem:$0x3FB4]  }
0x2b: {  	s6 =	sld [smem:$0x3FB5]  }
0x2c: {  	s7 =	sld [smem:$0x3FB6]  }
0x2d: {  	s3 =	simm.s32 $0x108;
	s8 =	sld [smem:$0x3FB7]  }
0x2e: {  	s3 =	simm.s32 @!p0 $0x1082;
	s9 =	sld [smem:$0x3FB8]  }
0x2f: {  	lr =	sadd.s32 s0, s3;
	s0 =	sld [smem:$0x3FAF]  }
0x30: {  	s3 =	sld [smem:$0x3FB2]  }
0x31: {  	[smem:$0x3FBB] =	sst s10  }
0x32: {  	s10 =	sld [smem:$0x3FB9];
	_ =	sdelay $0x3  }
0x33: {  	p0 =	seq.s32 s10, $0x1;
	s10 =	sld [smem:$0x3FBB];
	_ =	sdelay $0x3  }
0x34: {  	[smem:$0x3FBB] =	sst s10  }
0x35: {  	s10 =	sld [smem:$0x3FBA];
	_ =	sdelay $0x3  }
0x36: {  	p1 =	seq.s32 s10, $0x1;
	s10 =	sld [smem:$0x3FBB];
	_ =	sdelay $0x3  }
0x37: {  	[smem:$0x3FBB] =	sst s10  }
0x38: {  	s10 =	sld [smem:$0x3FBC]  }
0x39: {  	_ = 	snop;
	(pc) =	sbr.ind lr, $3  }
0x3a: {  	_ = 	snop  }
0x3b: {  	_ = 	snop  }
0x3c: {  	p2 =	seq.s32 s10, $0x1;
	s10 =	sld [smem:$0x3FBB]  }
0x3d: {  	_ =	shalt  }
0x3e: {  	_ =	shalt  }
0x3f: {  	_ =	shalt  }
0x40: {  	_ =	shalt  }
0x41: {  	_ =	shalt  }
0x42: {  	_ =	shalt  }
0x43: {  	_ =	shalt  }
0x44: {  	_ =	shalt  }
0x45: {  	_ =	shalt  }
0x46: {  	_ =	shalt  }
0x47: {  	_ =	shalt  }
0x48: {  	_ =	shalt  }
0x49: {  	_ =	shalt  }
0x4a: {  	_ =	shalt  }
0x4b: {  	_ =	shalt  }
0x4c: {  	_ =	shalt  }
0x4d: {  	_ =	shalt  }
0x4e: {  	_ =	shalt  }
0x4f: {  	_ =	shalt  }
0x50: {  	_ =	shalt  }
0x51: {  	_ =	shalt  }
0x52: {  	_ =	shalt  }
0x53: {  	_ =	shalt  }
0x54: {  	_ =	shalt  }
0x55: {  	_ =	shalt  }
0x56: {  	_ =	shalt  }
0x57: {  	_ =	shalt  }
0x58: {  	_ =	shalt  }
0x59: {  	_ =	shalt  }
0x5a: {  	_ =	shalt  }
0x5b: {  	_ =	shalt  }
0x5c: {  	_ =	shalt  }
0x5d: {  	_ =	shalt  }
0x5e: {  	_ =	shalt  }
0x5f: {  	_ =	shalt  }
0x60: {  	_ =	shalt  }
0x61: {  	_ =	shalt  }
0x62: {  	_ =	shalt  }
0x63: {  	_ =	shalt  }
0x64: {  	_ =	shalt  }
0x65: {  	_ =	shalt  }
0x66: {  	_ =	shalt  }
0x67: {  	_ =	shalt  }
0x68: {  	_ =	shalt  }
0x69: {  	_ =	shalt  }
0x6a: {  	_ =	shalt  }
0x6b: {  	_ =	shalt  }
0x6c: {  	_ =	shalt  }
0x6d: {  	_ =	shalt  }
0x6e: {  	_ =	shalt  }
0x6f: {  	_ =	shalt  }
0x70: {  	_ =	shalt  }
0x71: {  	_ =	shalt  }
0x72: {  	_ =	shalt  }
0x73: {  	_ =	shalt  }
0x74: {  	_ =	shalt  }
0x75: {  	_ =	shalt  }
0x76: {  	_ =	shalt  }
0x77: {  	_ =	shalt  }
0x78: {  	_ =	shalt  }
0x79: {  	_ =	shalt  }
0x7a: {  	_ =	shalt  }
0x7b: {  	_ =	shalt  }
0x7c: {  	_ =	shalt  }
0x7d: {  	_ =	shalt  }
0x7e: {  	_ =	shalt  }
0x7f: {  	_ =	shalt  }
0x80: {  	_ =	shalt  }
0x81: {  	_ =	shalt  }
0x82: {  	_ =	shalt  }
0x83: {  	_ =	shalt  }
0x84: {  	_ =	shalt  }
0x85: {  	_ =	shalt  }
0x86: {  	_ =	shalt  }
0x87: {  	_ =	shalt  }
.Lfunc_end0:
.L_simem_size_0:
called_computation_lowered:
.L_overlay_start_0:
0x88: {  	s2 =	sld [smem:$0x3FD9]  }
0x89: {  	s3 =	sld [smem:$0x3FFE];
	_ =	sdelay $0x1  }
0x8a: {  	s1 =	srdreg.scid  }
0x8b: {  	s0 =	sand.u32 $0x1, s1  }
0x8c: {  	s17 =	sshll.u32 s0, $0xA;
	s2 =	sadd.s32 s3, s2  }
0x8d: {  	s2 =	sadd.s32 s2, s17  }
0x8e: {  	[smem:$0x3FC7] =	sst s2  }
0x8f: {  	_ = 	snop  }
0x90: {  	s2 =	sld [smem:$0x3FD0];
	(tm) =	ssettm $0x1  }
0x91: {  	s18 =	sld [smem:$0x3FFB];
	_ =	sdelay $0x3  }
0x92: {  	_ =	strace s18  }
0x93: {  	s3 =	sld [smem:$0x3FFC];
	_ =	sdelay $0x3  }
0x94: {  	_ =	strace s3  }
0x95: {  	s3 =	sld [smem:$0x3FFD];
	_ =	sdelay $0x3  }
0x96: {  	_ =	strace s3  }
0x97: {  	_ =	strace $0x8FFFFFFF  }
0x98: {  	s19 =	sld [smem:$0x3FDB];
	_ =	sdelay $0x1  }
0x99: {  	s4 =	simm.s32 $_scs_section_size  }
0x9a: {  	s5 =	simm.s32 $_size__tile_overlayer_lowered;
	s6 =	simm.s32 $_tile_overlayer_lowered  }
0x9b: {  	s22 =	simm.s32 $0x1BFF;
	s21 =	sshll.u32 s6, $0x1;
	s3 =	sadd.s32 s4, s19  }
0x9c: {  	s7 =	simm.s32 $0x0;
	s20 =	sshll.u32 s5, $0x1;
	s5 =	sadd.s32 s21, s3  }
0x9d: {  	[timem:s7], [sflag:s22] =	dma.local [hbm:s5], s20  }
0x9e: {  	_ =	swait.ge [sflag:s22], s20  }
0x9f: {  	s4 =	ssub.s32 $0x0, s20;
	[sflag:s22] =	ssyncset.done $0x0  }
0xa0: {  	[sflag:s22] =	ssyncadd.s32 s4;
	_ =	sdelay $0x1  }
0xa1: {  	s23 =	simm.s32 $0x1B8B  }
0xa2: {  	_ =	swait.ge [sflag:s23], $0x1  }
0xa3: {  	[sflag:s23] =	ssyncset.done $0x0  }
0xa4: {  	s25 =	simm.s32 $0x1B8E;
	s24 =	sld [smem:$0x3FFE];
	[sflag:s23] =	ssyncadd.s32 $0xFFFFFFFF  }
0xa5: {  	s26 =	simm.s32 $execute0_lowered;
	[smem:$0x3FD2] =	sst s25  }
0xa6: {  	s5 =	sshll.u32 s26, $0x1;
	_ =	strace $0x80000046;
	[dreg:$0x1] =	wrdreg $0xFFFFFFFF  }
0xa7: {  	s28 =	simm.s32 $_size_execute0_lowered;
	s3 =	sadd.s32 s3, s5;
	[dreg:$0x0] =	wrdreg $0x0  }
0xa8: {  	s5 =	sshll.u32 s28, $0x1;
	[dreg:$0x2] =	wrdreg s3  }
0xa9: {  	[dreg:$0x3] =	wrdreg s5  }
0xaa: {  	[dreg:$0x4] =	wrdreg $0xC0  }
0xab: {  	_ =	task [dreg:s7], $0x5FFFF  }
0xac: {  	[dreg:$0x1] =	wrdreg $0xFFFFFFFF  }
0xad: {  	[dreg:$0x0] =	wrdreg $0x60  }
0xae: {  	[dreg:$0x2] =	wrdreg s24  }
0xaf: {  	[dreg:$0x3] =	wrdreg s2  }
0xb0: {  	[dreg:$0x4] =	wrdreg $0x2000  }
0xb1: {  	[dreg:$0x5] =	wrdreg $0x9  }
0xb2: {  	_ =	task.clear_ibuf [dreg:s7], $0x6FFFF;
	_ =	strace $0x90000046  }
0xb3: {  	s29 =	simm.s32 $0x9;
	_ =	strace $0x80000048  }
0xb4: {  	_ =	swait.ge [sflag:s29], $0x1  }
0xb5: {  	[sflag:s29] =	ssyncadd.s32 $0xFFFFFFFF  }
0xb6: {  	_ =	strace $0x90000048  }
0xb7: {  	_ =	sfence  }
0xb8: {  	s30 =	sld [smem:$0x0];
	_ =	sdelay $0x2  }
0xb9: {  	s31 =	sshll.u32 s1, $0xD;
	s1 =	sshrl.u32 s1, $0x2  }
0xba: {  	s3 =	sand.u32 $0x4000, s31;
	s1 =	sadd.s32 s1, s30  }
0xbb: {  	s0 =	sor.u32 s3, s0;
	s1 =	sshll.u32 s1, $0x11  }
0xbc: {  	s0 =	sor.u32 s1, s0  }
0xbd: {  	s0 =	sadd.s32 $0x8F2B, s0  }
0xbe: {  	[sflag:s0] =	ssyncadd.remote.s32 $0x1  }
0xbf: {  	_ =	sfence.sel $0xFFFF  }
0xc0: {  	[dreg:$0x0] =	wrdreg $0xFFFFFFFF;
	(pc) =	sbr.abs _section_cstart, $3  }
0xc1: {  	[dreg:$0x1] =	wrdreg $0xFFFFFFFF  }
0xc2: {  	_ =	task.clear_ibuf [dreg:s7], $0x2FFFF;
	_ =	strace $0x9FFFFFFF  }
0xc3: {  	(tm) =	ssettm $0x7FFFFFFF  }
tec
execute0_lowered:
.L_overlay_start_1:
0x0: {  	(tag) =	ssettag $0x1  }
0x1: {  	s3 =	rddreg [dreg:$0x0]  }
0x2: {  	s4 =	rddreg [dreg:$0x1]  }
0x3: {  	s5 =	rddreg [dreg:$0x2];
	s2 =	srdreg.scid  }
0x4: {  	s0 =	rddreg [dreg:$0x3];
	s1 =	stileid.u32;
	s10 =	simm.s32 $0x4200  }
0x5: {  	s11 =	simm.s32 $0x2;
	s12 =	simm.s32 $0x1;
	s13 =	simm.s32 $0x0  }
0x6: {  	s6 =	sand.u32 $0x1, s2;
	s2 =	simm.s32 $0x0;
	s7 =	sshll.u32 s1, $0x7  }
0x7: {  	s30 =	sshll.u32 s1, $0x12;
	s9 =	sshll.u32 s1, $0xE;
	s31 =	sshll.u32 s1, $0x6  }
0x8: {  	s8 =	sshll.u32 s6, $0x6;
	[smem:$0x7FF] =	sst s2;
	s28 =	ssub.s32 $0x2, s6  }
0x9: {  	s6 =	sshll.u32 s6, $0x11;
	s9 =	sadd.s32 s9, s5;
	s7 =	sor.u32 s8, s7  }
0xa: {  	_ =	strace $0x80000047;
	s29 =	sshrl.u32 s28, $0x1;
	s8 =	sadd.s32 s30, s4  }
0xb: {  	s9 =	sshrl.u32 s9, $0x3;
	s3 =	sadd.s32 s7, s3;
	s7 =	ssub.s32 s28, s29  }
0xc: {  	s5 =	sadd.s32 s6, s8;
	s8 =	sor.u32 $0x1C01, s31;
	s3 =	sadd.s32 $0x400, s3  }
0xd: {  	s4 =	smax.u32 s7, $0x1;
	s6 =	sadd.s32 $0x13000, s5;
	s7 =	simm.s32 $0x3  }
.LBB2_1:
0xe: {  	[tilespmem:s2], [sflag:$0x3] =	stream.linear.gather [hbm4b:s3+s2], $0x200, $0x38;
	[tilespmem:$0x8200] =	vst v63  }
0xf: {  	_ =	swait.ge [sflag:s7], $0x200  }
0x10: {  	[sflag:s7] =	ssyncset.done $0x0  }
0x11: {  	s14 =	simm.s32 $0x0;
	[sflag:s7] =	ssyncadd.s32 $0xFFFFFE00  }
.LBB2_2:
0x12: {  	p0 =	sne.s32 s14, $0xC800  }
.Ltmp0:
0x13: {  	_ = 	snop;
	(pc) =	sbr.rel @p0 .LBB2_2-.Ltmp0, $3  }
0x14: {  	_ =	sdelay $0x1  }
0x15: {  	s15 =	sadd.s32 s14, s6;
	s14 =	sadd.s32 $0x800, s14  }
0x16: {  	[hbm:s15], [sflag:s8] =	dma.local [spmem:s9], $0x800  }
0x17: {  	s14 =	simm.s32 $0x0  }
.LBB2_4:
0x18: {  	p0 =	sne.s32 s14, $0x12800  }
.Ltmp1:
0x19: {  	_ = 	snop;
	(pc) =	sbr.rel @p0 .LBB2_4-.Ltmp1, $3  }
0x1a: {  	_ =	sdelay $0x1  }
0x1b: {  	s15 =	sadd.s32 s14, s5;
	s14 =	sadd.s32 $0x800, s14  }
0x1c: {  	[hbm4b:s15+s2] =	stream.linear.scatter [tilespmem:s10], [sflag:$0x2], $0x4000, $0x38;
	[tilespmem:$0x8200] =	vst v63  }
0x1d: {  	_ =	swait.ge [sflag:s11], $0x4000  }
0x1e: {  	s14 =	simm.s32 $0x25;
	[sflag:s11] =	ssyncset.done $0x0  }
.LBB2_6:
0x1f: {  	p0 =	sne.s32 s14, $0x1;
	s14 =	sadd.s32 $0xFFFFFFFF, s14;
	[sflag:s11] =	ssyncadd.s32 $0xFFFFC000  }
.Ltmp2:
0x20: {  	(pc) =	sbr.rel @p0 .LBB2_6-.Ltmp2, $3  }
0x21: {  	_ =	sdelay $0x1  }
0x22: {  	_ =	swait.ge [sflag:s11], $0x4000  }
0x23: {  	[sflag:s11] =	ssyncset.done $0x0  }
0x24: {  	[sflag:s11] =	ssyncadd.s32 $0xFFFFC000  }
0x25: {  	_ =	swait.ge [sflag:s12], $0x800  }
0x26: {  	[sflag:s12] =	ssyncset.done $0x0  }
0x27: {  	[sflag:s12] =	ssyncadd.s32 $0xFFFFF800  }
0x28: {  	_ =	swait.ge [sflag:s12], $0x800  }
0x29: {  	[sflag:s12] =	ssyncset.done $0x0  }
0x2a: {  	[sflag:s12] =	ssyncadd.s32 $0xFFFFF800  }
0x2b: {  	_ =	swait.ge [sflag:s12], $0x800  }
0x2c: {  	[sflag:s12] =	ssyncset.done $0x0  }
0x2d: {  	[sflag:s12] =	ssyncadd.s32 $0xFFFFF800  }
0x2e: {  	_ =	swait.ge [sflag:s12], $0x800  }
0x2f: {  	[sflag:s12] =	ssyncset.done $0x0  }
0x30: {  	[sflag:s12] =	ssyncadd.s32 $0xFFFFF800  }
0x31: {  	_ =	swait.ge [sflag:s12], $0x800  }
0x32: {  	[sflag:s12] =	ssyncset.done $0x0  }
0x33: {  	[sflag:s12] =	ssyncadd.s32 $0xFFFFF800  }
0x34: {  	_ =	swait.ge [sflag:s12], $0x800  }
0x35: {  	[sflag:s12] =	ssyncset.done $0x0  }
0x36: {  	[sflag:s12] =	ssyncadd.s32 $0xFFFFF800  }
0x37: {  	_ =	swait.ge [sflag:s12], $0x800  }
0x38: {  	[sflag:s12] =	ssyncset.done $0x0  }
0x39: {  	[sflag:s12] =	ssyncadd.s32 $0xFFFFF800  }
0x3a: {  	_ =	swait.ge [sflag:s12], $0x800  }
0x3b: {  	[sflag:s12] =	ssyncset.done $0x0  }
0x3c: {  	[sflag:s12] =	ssyncadd.s32 $0xFFFFF800  }
0x3d: {  	_ =	swait.ge [sflag:s12], $0x800  }
0x3e: {  	[sflag:s12] =	ssyncset.done $0x0  }
0x3f: {  	[sflag:s12] =	ssyncadd.s32 $0xFFFFF800  }
0x40: {  	_ =	swait.ge [sflag:s12], $0x800  }
0x41: {  	[sflag:s12] =	ssyncset.done $0x0  }
0x42: {  	[sflag:s12] =	ssyncadd.s32 $0xFFFFF800  }
0x43: {  	_ =	swait.ge [sflag:s12], $0x800  }
0x44: {  	[sflag:s12] =	ssyncset.done $0x0  }
0x45: {  	[sflag:s12] =	ssyncadd.s32 $0xFFFFF800  }
0x46: {  	_ =	swait.ge [sflag:s12], $0x800  }
0x47: {  	[sflag:s12] =	ssyncset.done $0x0  }
0x48: {  	[sflag:s12] =	ssyncadd.s32 $0xFFFFF800  }
0x49: {  	_ =	swait.ge [sflag:s12], $0x800  }
0x4a: {  	[sflag:s12] =	ssyncset.done $0x0  }
0x4b: {  	[sflag:s12] =	ssyncadd.s32 $0xFFFFF800  }
0x4c: {  	_ =	swait.ge [sflag:s12], $0x800  }
0x4d: {  	[sflag:s12] =	ssyncset.done $0x0  }
0x4e: {  	[sflag:s12] =	ssyncadd.s32 $0xFFFFF800  }
0x4f: {  	_ =	swait.ge [sflag:s12], $0x800  }
0x50: {  	[sflag:s12] =	ssyncset.done $0x0  }
0x51: {  	[sflag:s12] =	ssyncadd.s32 $0xFFFFF800  }
0x52: {  	_ =	swait.ge [sflag:s12], $0x800  }
0x53: {  	[sflag:s12] =	ssyncset.done $0x0  }
0x54: {  	[sflag:s12] =	ssyncadd.s32 $0xFFFFF800  }
0x55: {  	_ =	swait.ge [sflag:s12], $0x800  }
0x56: {  	[sflag:s12] =	ssyncset.done $0x0  }
0x57: {  	[sflag:s12] =	ssyncadd.s32 $0xFFFFF800  }
0x58: {  	_ =	swait.ge [sflag:s12], $0x800  }
0x59: {  	[sflag:s12] =	ssyncset.done $0x0  }
0x5a: {  	[sflag:s12] =	ssyncadd.s32 $0xFFFFF800  }
0x5b: {  	_ =	swait.ge [sflag:s12], $0x800  }
0x5c: {  	[sflag:s12] =	ssyncset.done $0x0  }
0x5d: {  	[sflag:s12] =	ssyncadd.s32 $0xFFFFF800  }
0x5e: {  	_ =	swait.ge [sflag:s12], $0x800  }
0x5f: {  	[sflag:s12] =	ssyncset.done $0x0  }
0x60: {  	[sflag:s12] =	ssyncadd.s32 $0xFFFFF800  }
0x61: {  	_ =	swait.ge [sflag:s12], $0x800  }
0x62: {  	[sflag:s12] =	ssyncset.done $0x0  }
0x63: {  	[sflag:s12] =	ssyncadd.s32 $0xFFFFF800  }
0x64: {  	_ =	swait.ge [sflag:s12], $0x800  }
0x65: {  	[sflag:s12] =	ssyncset.done $0x0  }
0x66: {  	[sflag:s12] =	ssyncadd.s32 $0xFFFFF800  }
0x67: {  	_ =	swait.ge [sflag:s12], $0x800  }
0x68: {  	[sflag:s12] =	ssyncset.done $0x0  }
0x69: {  	[sflag:s12] =	ssyncadd.s32 $0xFFFFF800  }
0x6a: {  	_ =	swait.ge [sflag:s12], $0x800  }
0x6b: {  	[sflag:s12] =	ssyncset.done $0x0  }
0x6c: {  	s13 =	sadd.s32 $0x1, s13;
	[sflag:s12] =	ssyncadd.s32 $0xFFFFF800  }
0x6d: {  	p0 =	sne.s32 s13, s4;
	_ =	swait.ge [sflag:s12], $0x800  }
.Ltmp3:
0x6e: {  	[sflag:s12] =	ssyncset.done $0x0;
	(pc) =	sbr.rel @p0 .LBB2_1-.Ltmp3, $4  }
0x6f: {  	[sflag:s12] =	ssyncadd.s32 $0xFFFFF800  }
0x70: {  	_ =	swait.ge [sflag:s12], $0x800  }
0x71: {  	[sflag:s12] =	ssyncset.done $0x0  }
0x72: {  	[sflag:s12] =	ssyncadd.s32 $0xFFFFF800  }
0x73: {  	_ =	sfence.sel $0x180000  }
0x74: {  	[bflag:$0x0] =	sbarrier.arrive $0xFFFF  }
0x75: {  	p0 =	sne.s32 s1, $0x0;
	_ =	strace $0x90000047  }
0x76: {  	s0 =	sadd.s32 @!p0 $0x100000, s0;
	[bflag:$0x2] =	sbarrier.arrive $0xFFFF  }
0x77: {  	[sflag:s0] =	ssyncadd.tile.s32 @!p0 $0x1;
	_ =	shalt  }
.Lfunc_end2:
_tile_overlayer_lowered:
.L_overlay_start_2:
0x78: {  	(tag) =	ssettag $0x2  }
0x79: {  	s0 =	rddreg [dreg:$0x0];
	s2 =	stileid.u32  }
0x7a: {  	s1 =	rddreg [dreg:$0x1];
	p0 =	sne.s32 s2, $0x0  }
0x7b: {  	s3 =	rddreg [dreg:$0x2];
	[bflag:$0x3] =	sbarrier.arrive $0xFFFF;
	s2 =	simm.s32 @!p0 $0x1C03  }
0x7c: {  	[timem:s3], [sflag:s2] =	dma.local @!p0 [hbm:s0], s1  }
0x7d: {  	s0 =	simm.s32 @!p0 $0x3  }
0x7e: {  	_ =	swait.ge @!p0 [sflag:s0], s1  }
0x7f: {  	s1 =	ssub.s32 @!p0 $0x0, s1;
	[sflag:s0] =	ssyncset.done @!p0 $0x0  }
0x80: {  	[sflag:s0] =	ssyncadd.s32 @!p0 s1  }
0x81: {  	[bflag:$0x3] =	sbarrier.arrive $0xFFFF  }
0x82: {  	_ =	shalt  }

</sc_bundles>
